<compile_context>
chip_gen: v7x
topology: tpu7x:2x2x1
jax: 0.10.2.dev20260603
libtpu: 0.0.44.dev20260713+nightly
codegen_flags: <defaults>
</compile_context>

<pallas_src>
import jax
import jax.numpy as jnp
from jax import lax
from jax.experimental import pallas as pl
from jax.experimental.pallas import tpu as pltpu
from jax.experimental.pallas import tpu_sc as plsc

_RULE_V = 1000
_TOK_V = 100000
_REF_L = 200

_NW = 16

_TOK_CHUNK = 6400
_TAIL_BASE = 15 * _TOK_CHUNK
_TAIL_ALN = 3968
_TOK_RAG_BASE = _TAIL_BASE + _TAIL_ALN
_TOK_RAG = _TOK_V - _TOK_RAG_BASE

_RULE_ALN = 896
_RULE_RAG = _RULE_V - _RULE_ALN
_REF_ALN = 128
_REF_RAG = _REF_L - _REF_ALN

_B_TAIL = 0
_B_RULE = 4096
_B_REF = 4992


def _body(len_hbm, rule_hbm, token_hbm, ref_hbm,
          out_rule, out_tok, out_ref,
          len_v, idx_v, big, rag_tok, rag_rule, rag_ref, sem):
    wid = lax.axis_index("s")
    pltpu.sync_copy(len_hbm, len_v.at[pl.ds(0, 1)])
    vec = len_v[...] - 1
    idx_v[...] = vec
    idx1 = idx_v.at[pl.ds(0, 1)]
    row = vec[0]
    row8 = pl.multiple_of((row // 8) * 8, 8)
    rsub = row - row8

    @pl.when(wid < _NW - 1)
    def _():
        base = pl.multiple_of(wid * _TOK_CHUNK, 128)
        pltpu.async_copy(
            token_hbm.at[idx1, pl.ds(base, _TOK_CHUNK)], big, sem
        ).wait()
        wr = pltpu.make_async_copy(
            big.at[0], out_tok.at[pl.ds(base, _TOK_CHUNK)], sem)
        wr.start()
        wr.wait()

    @pl.when(wid == _NW - 1)
    def _():
        g1 = pltpu.async_copy(
            token_hbm.at[idx1, pl.ds(_TAIL_BASE, _TAIL_ALN)],
            big.at[:, pl.ds(_B_TAIL, _TAIL_ALN)], sem)
        g2 = pltpu.async_copy(
            rule_hbm.at[idx1, pl.ds(0, _RULE_ALN)],
            big.at[:, pl.ds(_B_RULE, _RULE_ALN)], sem)
        g3 = pltpu.async_copy(
            ref_hbm.at[idx1, pl.ds(0, _REF_ALN)],
            big.at[:, pl.ds(_B_REF, _REF_ALN)], sem)
        g4 = pltpu.async_copy(
            token_hbm.at[pl.ds(row8, 8), pl.ds(_TOK_RAG_BASE, _TOK_RAG)],
            rag_tok, sem)
        g5 = pltpu.async_copy(
            rule_hbm.at[pl.ds(row8, 8), pl.ds(_RULE_ALN, _RULE_RAG)],
            rag_rule, sem)
        g6 = pltpu.async_copy(
            ref_hbm.at[pl.ds(row8, 8), pl.ds(_REF_ALN, _REF_RAG)],
            rag_ref, sem)
        g1.wait()
        g2.wait()
        g3.wait()
        g4.wait()
        g5.wait()
        g6.wait()
        w1 = pltpu.make_async_copy(
            big.at[0, pl.ds(_B_TAIL, _TAIL_ALN)],
            out_tok.at[pl.ds(_TAIL_BASE, _TAIL_ALN)], sem)
        w2 = pltpu.make_async_copy(
            big.at[0, pl.ds(_B_RULE, _RULE_ALN)],
            out_rule.at[pl.ds(0, _RULE_ALN)], sem)
        w3 = pltpu.make_async_copy(
            big.at[0, pl.ds(_B_REF, _REF_ALN)],
            out_ref.at[pl.ds(0, _REF_ALN)], sem)
        w4 = pltpu.make_async_copy(
            rag_tok.at[rsub], out_tok.at[pl.ds(_TOK_RAG_BASE, _TOK_RAG)], sem)
        w5 = pltpu.make_async_copy(
            rag_rule.at[rsub], out_rule.at[pl.ds(_RULE_ALN, _RULE_RAG)], sem)
        w6 = pltpu.make_async_copy(
            rag_ref.at[rsub], out_ref.at[pl.ds(_REF_ALN, _REF_RAG)], sem)
        w1.start()
        w2.start()
        w3.start()
        w4.start()
        w5.start()
        w6.start()
        w1.wait()
        w2.wait()
        w3.wait()
        w4.wait()
        w5.wait()
        w6.wait()


@jax.jit
def _select_rows(length, rule_prob, token_prob, reference_prob):
    mesh = plsc.VectorSubcoreMesh(
        core_axis_name="c", subcore_axis_name="s", num_cores=1)
    return pl.kernel(
        _body,
        out_type=[
            jax.ShapeDtypeStruct((_RULE_V,), jnp.float32),
            jax.ShapeDtypeStruct((_TOK_V,), jnp.float32),
            jax.ShapeDtypeStruct((_REF_L,), jnp.float32),
        ],
        mesh=mesh,
        scratch_types=[
            pltpu.VMEM((16,), jnp.int32),
            pltpu.VMEM((16,), jnp.int32),
            pltpu.VMEM((1, _TOK_CHUNK), jnp.float32),
            pltpu.VMEM((8, _TOK_RAG), jnp.float32),
            pltpu.VMEM((8, _RULE_RAG), jnp.float32),
            pltpu.VMEM((8, _REF_RAG), jnp.float32),
            pltpu.SemaphoreType.DMA,
        ],
        compiler_params=pltpu.CompilerParams(use_tc_tiling_on_sc=True),
    )(length, rule_prob, token_prob, reference_prob)


def kernel(rule_prob, token_prob, reference_prob, length):
    rule_row, tok_row, ref_row = _select_rows(
        length, rule_prob, token_prob, reference_prob)
    return (rule_row, tok_row, ref_row)

# --- scband reference (transcript-rebuilt; emitter-appended) ---
"""Pipeline reference for scband-decoder-module-89335319757115 (READ-ONLY COPY).

The authoritative reference and input builder live on the scoring server;
editing this copy changes nothing except your own understanding.
"""

import jax, jax.numpy as jnp
import numpy as np

MAX_LEN = 200
RULE_V = 1000
TOK_V = 100000
REF_L = 200


def setup_inputs(seed: int = 0) -> dict:
    key = jax.random.key(seed)
    k1, k2, k3, k4 = jax.random.split(key, 4)
    # precomputed per-decoding-step probability tables (init args of the torch module)
    rule_prob = jax.nn.softmax(jax.random.normal(k1, (MAX_LEN, RULE_V), dtype=jnp.float32), axis=-1)
    token_prob = jax.nn.softmax(jax.random.normal(k2, (MAX_LEN, TOK_V), dtype=jnp.float32), axis=-1)
    reference_prob = jax.nn.softmax(jax.random.normal(k3, (MAX_LEN, REF_L), dtype=jnp.float32), axis=-1)
    # current decode length, 1-indexed (forward uses length[0] - 1 as row index)
    length = jax.random.randint(k4, (1,), 1, MAX_LEN + 1).astype(jnp.int32)
    return {
        "rule_prob": rule_prob,
        "token_prob": token_prob,
        "reference_prob": reference_prob,
        "length": length,
    }


def reference(rule_prob, token_prob, reference_prob, length):
    # Faithful translation of DecoderModule.forward:
    #   length = kwargs['length'][0] - 1
    #   kwargs['rule_probs'] = self.rule_prob[length]
    #   kwargs['token_probs'] = self.token_prob[length]
    #   kwargs['reference_probs'] = self.reference_prob[length]
    l = length[0] - 1
    rule_probs = jnp.take(rule_prob, l, axis=0)
    token_probs = jnp.take(token_prob, l, axis=0)
    reference_probs = jnp.take(reference_prob, l, axis=0)
    return (rule_probs, token_probs, reference_probs)

if __name__ == "__main__":
    import jax
    _d = setup_inputs()
    print(jax.jit(kernel)(*tuple(_d.values())))

</pallas_src>

<mosaic_0001>
#map = affine_map<(d0, d1) -> (0)>
#map1 = affine_map<(d0, d1) -> (0, 0)>
module attributes {stable_mosaic.version = 14 : i64} {
  func.func @_body(%arg0: i32, %arg1: i32, %arg2: memref<1xi32, #tpu.memory_space<hbm>>, %arg3: memref<200x1000xf32, #tpu.memory_space<hbm>>, %arg4: memref<200x100000xf32, #tpu.memory_space<hbm>>, %arg5: memref<200x200xf32, #tpu.memory_space<hbm>>, %arg6: memref<1000xf32, #tpu.memory_space<hbm>>, %arg7: memref<100000xf32, #tpu.memory_space<hbm>>, %arg8: memref<200xf32, #tpu.memory_space<hbm>>, %arg9: memref<16xi32, #tpu.memory_space<vmem>>, %arg10: memref<16xi32, #tpu.memory_space<vmem>>, %arg11: memref<1x6400xf32, #tpu.memory_space<vmem>>, %arg12: memref<8x32xf32, #tpu.memory_space<vmem>>, %arg13: memref<8x104xf32, #tpu.memory_space<vmem>>, %arg14: memref<8x72xf32, #tpu.memory_space<vmem>>, %arg15: memref<!tpu.dma_semaphore, #tpu.memory_space<semaphore_mem>>) attributes {dimension_semantics = [#tpu.dimension_semantics<core_parallel>, #tpu.dimension_semantics<subcore_parallel>], iteration_bounds = array<i64: 1, 16>, scalar_prefetch = 0 : i64, scratch_operands = 7 : i64, tpu.core_type = #tpu.core_type<sc_vector_subcore>, window_params = [{transform_indices = #map}, {transform_indices = #map1}, {transform_indices = #map1}, {transform_indices = #map1}, {transform_indices = #map}, {transform_indices = #map}, {transform_indices = #map}]} {
    "tpu.region"() ({
      %run_scoped3A = tpu.sem_alloc : memref<!tpu.dma_semaphore, #tpu.memory_space<semaphore_mem>>
      %dma_start3A = arith.constant 0 : i32
      %dma_start3A_32 = tpu.memref_slice %arg9[%dma_start3A] : memref<16xi32, #tpu.memory_space<vmem>> -> memref<1xi32, #tpu.memory_space<vmem>>
      %dma_start3A_33 = arith.constant 0 : i32
      %dma_start3A_34 = tpu.memref_slice %arg9[%dma_start3A_33] : memref<16xi32, #tpu.memory_space<vmem>> -> memref<1xi32, #tpu.memory_space<vmem>>
      tpu.enqueue_dma source(%arg2 : memref<1xi32, #tpu.memory_space<hbm>>) target(%dma_start3A_34 : memref<1xi32, #tpu.memory_space<vmem>>) target_semaphore(%run_scoped3A : memref<!tpu.dma_semaphore, #tpu.memory_space<semaphore_mem>>)
      %dma_wait3A = arith.constant 0 : i32
      %dma_wait3A_35 = tpu.memref_slice %arg9[%dma_wait3A] : memref<16xi32, #tpu.memory_space<vmem>> -> memref<1xi32, #tpu.memory_space<vmem>>
      %dma_wait3A_36 = arith.constant 0 : i32
      %dma_wait3A_37 = tpu.memref_slice %arg9[%dma_wait3A_36] : memref<16xi32, #tpu.memory_space<vmem>> -> memref<1xi32, #tpu.memory_space<vmem>>
      tpu.wait_dma2 semaphore(%run_scoped3A : memref<!tpu.dma_semaphore, #tpu.memory_space<semaphore_mem>>) src(%arg2 : memref<1xi32, #tpu.memory_space<hbm>>) dst(%dma_wait3A_37 : memref<1xi32, #tpu.memory_space<vmem>>)
      tpu.yield
    }) : () -> ()
    %get3A = arith.constant 0 : index
    %get3A_0 = tpu.vector_load %arg9[%get3A] {strides = array<i32>} : memref<16xi32, #tpu.memory_space<vmem>>, vector<16xi32>,
    %get3A_1 = vector.shape_cast %get3A_0 : vector<16xi32> to vector<16xi32>
    %sub3A = arith.constant 1 : i32
    %sub3A_2 = vector.broadcast %sub3A : i32 to vector<16xi32>
    %sub3A_3 = arith.subi %get3A_1, %sub3A_2 : vector<16xi32>
    %swap3A = arith.constant 0 : index
    %swap3A_4 = tpu.vector_load %arg10[%swap3A] {strides = array<i32>} : memref<16xi32, #tpu.memory_space<vmem>>, vector<16xi32>,
    %swap3A_5 = vector.shape_cast %swap3A_4 : vector<16xi32> to vector<16xi32>
    %swap3A_6 = vector.shape_cast %sub3A_3 : vector<16xi32> to vector<16xi32>
    tpu.vector_store %arg10[%swap3A], %swap3A_6 {strides = array<i32>} : memref<16xi32, #tpu.memory_space<vmem>>, vector<16xi32>,
    %slice3A = vector.extract_strided_slice %sub3A_3 {offsets = [0], sizes = [1], strides = [1]} : vector<16xi32> to vector<1xi32>
    %squeeze3A = vector.extract %slice3A[0] : i32 from vector<1xi32>
    %jit3A = arith.constant 8 : i32
    %div3A = arith.divsi %squeeze3A, %jit3A : i32
    %sign3A = arith.constant 0 : i32
    %sign3A_7 = arith.cmpi sgt, %squeeze3A, %sign3A : i32
    %sign3A_8 = arith.extui %sign3A_7 : i1 to i32
    %sign3A_9 = arith.constant 0 : i32
    %sign3A_10 = arith.cmpi slt, %squeeze3A, %sign3A_9 : i32
    %sign3A_11 = arith.extui %sign3A_10 : i1 to i32
    %sign3A_12 = arith.subi %sign3A_8, %sign3A_11 : i32
    %sign3A_13 = arith.constant 0 : i32
    %sign3A_14 = arith.cmpi sgt, %jit3A, %sign3A_13 : i32
    %sign3A_15 = arith.extui %sign3A_14 : i1 to i32
    %sign3A_16 = arith.constant 0 : i32
    %sign3A_17 = arith.cmpi slt, %jit3A, %sign3A_16 : i32
    %sign3A_18 = arith.extui %sign3A_17 : i1 to i32
    %sign3A_19 = arith.subi %sign3A_15, %sign3A_18 : i32
    %ne3A = arith.cmpi ne, %sign3A_12, %sign3A_19 : i32
    %rem3A = arith.remsi %squeeze3A, %jit3A : i32
    %ne3A_20 = arith.constant 0 : i32
    %ne3A_21 = arith.cmpi ne, %rem3A, %ne3A_20 : i32
    %and3A = arith.andi %ne3A, %ne3A_21 : i1
    %sub3A_22 = arith.constant 1 : i32
    %sub3A_23 = arith.subi %div3A, %sub3A_22 : i32
    %select_n3A = arith.select %and3A, %sub3A_23, %div3A : i32
    %mul3A = arith.constant 8 : i32
    %mul3A_24 = arith.muli %select_n3A, %mul3A : i32
    %multiple_of3A = tpu.assume_multiple %mul3A_24, 8 : i32
    %sub3A_25 = arith.subi %squeeze3A, %multiple_of3A : i32
    %lt3A = arith.constant 15 : i32
    %lt3A_26 = arith.cmpi slt, %arg1, %lt3A : i32
    %convert_element_type3A = arith.extui %lt3A_26 : i1 to i32
    %cond3A = arith.constant 0 : i32
    %cond3A_27 = arith.cmpi ne, %convert_element_type3A, %cond3A : i32
    scf.if %cond3A_27 {
      %mul3A_32 = arith.constant 6400 : i32
      %mul3A_33 = arith.muli %arg1, %mul3A_32 : i32
      %multiple_of3A_34 = tpu.assume_multiple %mul3A_33, 128 : i32
      %dma_start3A = arith.constant 0 : i32
      %dma_start3A_35 = tpu.memref_slice %arg10[%dma_start3A] : memref<16xi32, #tpu.memory_space<vmem>> -> memref<1xi32, #tpu.memory_space<vmem>>
      %dma_start3A_36 = arith.constant 0 : i32
      %dma_start3A_37 = tpu.memref_slice %arg4[%dma_start3A_36, %multiple_of3A_34] : memref<200x100000xf32, #tpu.memory_space<hbm>> -> memref<200x6400xf32, #tpu.memory_space<hbm>>
      tpu.enqueue_indirect_dma source(%dma_start3A_37 : memref<200x6400xf32, #tpu.memory_space<hbm>>) target(%arg11 : memref<1x6400xf32, #tpu.memory_space<vmem>>) offsets(%dma_start3A_35 : memref<1xi32, #tpu.memory_space<vmem>>) semaphore(%arg15 : memref<!tpu.dma_semaphore, #tpu.memory_space<semaphore_mem>>)
      %dma_wait3A = arith.constant 0 : i32
      %dma_wait3A_38 = tpu.memref_slice %arg10[%dma_wait3A] : memref<16xi32, #tpu.memory_space<vmem>> -> memref<1xi32, #tpu.memory_space<vmem>>
      %dma_wait3A_39 = arith.constant 0 : i32
      %dma_wait3A_40 = tpu.memref_slice %arg4[%dma_wait3A_39, %multiple_of3A_34] : memref<200x100000xf32, #tpu.memory_space<hbm>> -> memref<200x6400xf32, #tpu.memory_space<hbm>>
      tpu.wait_indirect_dma semaphore(%arg15 : memref<!tpu.dma_semaphore, #tpu.memory_space<semaphore_mem>>) src(%dma_wait3A_40 : memref<200x6400xf32, #tpu.memory_space<hbm>>) dst(%arg11 : memref<1x6400xf32, #tpu.memory_space<vmem>>)
      %dma_start3A_41 = arith.constant 0 : i32
      %dma_start3A_42 = arith.constant 0 : i32
      %dma_start3A_43 = tpu.memref_slice %arg11[%dma_start3A_41, %dma_start3A_42] : memref<1x6400xf32, #tpu.memory_space<vmem>> -> memref<1x6400xf32, #tpu.memory_space<vmem>>
      %dma_start3A_44 = tpu.memref_squeeze %dma_start3A_43 : memref<1x6400xf32, #tpu.memory_space<vmem>> -> memref<6400xf32, #tpu.memory_space<vmem>>
      %dma_start3A_45 = tpu.memref_slice %arg7[%multiple_of3A_34] : memref<100000xf32, #tpu.memory_space<hbm>> -> memref<6400xf32, #tpu.memory_space<hbm>>
      %dma_start3A_46 = tpu.memref_slice %arg7[%multiple_of3A_34] : memref<100000xf32, #tpu.memory_space<hbm>> -> memref<6400xf32, #tpu.memory_space<hbm>>
      %dma_start3A_47 = arith.constant 0 : i32
      %dma_start3A_48 = tpu.memref_slice %arg11[%dma_start3A_41, %dma_start3A_47] : memref<1x6400xf32, #tpu.memory_space<vmem>> -> memref<1x6400xf32, #tpu.memory_space<vmem>>
      %dma_start3A_49 = tpu.memref_squeeze %dma_start3A_48 : memref<1x6400xf32, #tpu.memory_space<vmem>> -> memref<6400xf32, #tpu.memory_space<vmem>>
      tpu.enqueue_dma source(%dma_start3A_49 : memref<6400xf32, #tpu.memory_space<vmem>>) target(%dma_start3A_46 : memref<6400xf32, #tpu.memory_space<hbm>>) target_semaphore(%arg15 : memref<!tpu.dma_semaphore, #tpu.memory_space<semaphore_mem>>)
      %dma_wait3A_50 = arith.constant 0 : i32
      %dma_wait3A_51 = arith.constant 0 : i32
      %dma_wait3A_52 = tpu.memref_slice %arg11[%dma_wait3A_50, %dma_wait3A_51] : memref<1x6400xf32, #tpu.memory_space<vmem>> -> memref<1x6400xf32, #tpu.memory_space<vmem>>
      %dma_wait3A_53 = tpu.memref_squeeze %dma_wait3A_52 : memref<1x6400xf32, #tpu.memory_space<vmem>> -> memref<6400xf32, #tpu.memory_space<vmem>>
      %dma_wait3A_54 = tpu.memref_slice %arg7[%multiple_of3A_34] : memref<100000xf32, #tpu.memory_space<hbm>> -> memref<6400xf32, #tpu.memory_space<hbm>>
      %dma_wait3A_55 = tpu.memref_slice %arg7[%multiple_of3A_34] : memref<100000xf32, #tpu.memory_space<hbm>> -> memref<6400xf32, #tpu.memory_space<hbm>>
      %dma_wait3A_56 = arith.constant 0 : i32
      %dma_wait3A_57 = tpu.memref_slice %arg11[%dma_wait3A_50, %dma_wait3A_56] : memref<1x6400xf32, #tpu.memory_space<vmem>> -> memref<1x6400xf32, #tpu.memory_space<vmem>>
      %dma_wait3A_58 = tpu.memref_squeeze %dma_wait3A_57 : memref<1x6400xf32, #tpu.memory_space<vmem>> -> memref<6400xf32, #tpu.memory_space<vmem>>
      tpu.wait_dma2 semaphore(%arg15 : memref<!tpu.dma_semaphore, #tpu.memory_space<semaphore_mem>>) src(%dma_wait3A_58 : memref<6400xf32, #tpu.memory_space<vmem>>) dst(%dma_wait3A_55 : memref<6400xf32, #tpu.memory_space<hbm>>)
    } else {
    }
    %eq3A = arith.constant 15 : i32
    %eq3A_28 = arith.cmpi eq, %arg1, %eq3A : i32
    %convert_element_type3A_29 = arith.extui %eq3A_28 : i1 to i32
    %cond3A_30 = arith.constant 0 : i32
    %cond3A_31 = arith.cmpi ne, %convert_element_type3A_29, %cond3A_30 : i32
    scf.if %cond3A_31 {
      %dma_start3A = arith.constant 0 : i32
      %dma_start3A_32 = arith.constant 0 : i32
      %dma_start3A_33 = tpu.memref_slice %arg11[%dma_start3A, %dma_start3A_32] : memref<1x6400xf32, #tpu.memory_space<vmem>> -> memref<1x3968xf32, #tpu.memory_space<vmem>>
      %dma_start3A_34 = arith.constant 0 : i32
      %dma_start3A_35 = tpu.memref_slice %arg10[%dma_start3A_34] : memref<16xi32, #tpu.memory_space<vmem>> -> memref<1xi32, #tpu.memory_space<vmem>>
      %dma_start3A_36 = arith.constant 0 : i32
      %dma_start3A_37 = arith.constant 96000 : i32
      %dma_start3A_38 = tpu.memref_slice %arg4[%dma_start3A_36, %dma_start3A_37] : memref<200x100000xf32, #tpu.memory_space<hbm>> -> memref<200x3968xf32, #tpu.memory_space<hbm>>
      tpu.enqueue_indirect_dma source(%dma_start3A_38 : memref<200x3968xf32, #tpu.memory_space<hbm>>) target(%dma_start3A_33 : memref<1x3968xf32, #tpu.memory_space<vmem>>) offsets(%dma_start3A_35 : memref<1xi32, #tpu.memory_space<vmem>>) semaphore(%arg15 : memref<!tpu.dma_semaphore, #tpu.memory_space<semaphore_mem>>)
      %dma_start3A_39 = arith.constant 0 : i32
      %dma_start3A_40 = arith.constant 4096 : i32
      %dma_start3A_41 = tpu.memref_slice %arg11[%dma_start3A_39, %dma_start3A_40] : memref<1x6400xf32, #tpu.memory_space<vmem>> -> memref<1x896xf32, #tpu.memory_space<vmem>>
      %dma_start3A_42 = arith.constant 0 : i32
      %dma_start3A_43 = tpu.memref_slice %arg10[%dma_start3A_42] : memref<16xi32, #tpu.memory_space<vmem>> -> memref<1xi32, #tpu.memory_space<vmem>>
      %dma_start3A_44 = arith.constant 0 : i32
      %dma_start3A_45 = arith.constant 0 : i32
      %dma_start3A_46 = tpu.memref_slice %arg3[%dma_start3A_44, %dma_start3A_45] : memref<200x1000xf32, #tpu.memory_space<hbm>> -> memref<200x896xf32, #tpu.memory_space<hbm>>
      tpu.enqueue_indirect_dma source(%dma_start3A_46 : memref<200x896xf32, #tpu.memory_space<hbm>>) target(%dma_start3A_41 : memref<1x896xf32, #tpu.memory_space<vmem>>) offsets(%dma_start3A_43 : memref<1xi32, #tpu.memory_space<vmem>>) semaphore(%arg15 : memref<!tpu.dma_semaphore, #tpu.memory_space<semaphore_mem>>)
      %dma_start3A_47 = arith.constant 0 : i32
      %dma_start3A_48 = arith.constant 4992 : i32
      %dma_start3A_49 = tpu.memref_slice %arg11[%dma_start3A_47, %dma_start3A_48] : memref<1x6400xf32, #tpu.memory_space<vmem>> -> memref<1x128xf32, #tpu.memory_space<vmem>>
      %dma_start3A_50 = arith.constant 0 : i32
      %dma_start3A_51 = tpu.memref_slice %arg10[%dma_start3A_50] : memref<16xi32, #tpu.memory_space<vmem>> -> memref<1xi32, #tpu.memory_space<vmem>>
      %dma_start3A_52 = arith.constant 0 : i32
      %dma_start3A_53 = arith.constant 0 : i32
      %dma_start3A_54 = tpu.memref_slice %arg5[%dma_start3A_52, %dma_start3A_53] : memref<200x200xf32, #tpu.memory_space<hbm>> -> memref<200x128xf32, #tpu.memory_space<hbm>>
      tpu.enqueue_indirect_dma source(%dma_start3A_54 : memref<200x128xf32, #tpu.memory_space<hbm>>) target(%dma_start3A_49 : memref<1x128xf32, #tpu.memory_space<vmem>>) offsets(%dma_start3A_51 : memref<1xi32, #tpu.memory_space<vmem>>) semaphore(%arg15 : memref<!tpu.dma_semaphore, #tpu.memory_space<semaphore_mem>>)
      %dma_start3A_55 = arith.constant 99968 : i32
      %dma_start3A_56 = tpu.memref_slice %arg4[%multiple_of3A, %dma_start3A_55] : memref<200x100000xf32, #tpu.memory_space<hbm>> -> memref<8x32xf32, #tpu.memory_space<hbm>>
      %dma_start3A_57 = arith.constant 99968 : i32
      %dma_start3A_58 = tpu.memref_slice %arg4[%multiple_of3A, %dma_start3A_57] : memref<200x100000xf32, #tpu.memory_space<hbm>> -> memref<8x32xf32, #tpu.memory_space<hbm>>
      tpu.enqueue_dma source(%dma_start3A_58 : memref<8x32xf32, #tpu.memory_space<hbm>>) target(%arg12 : memref<8x32xf32, #tpu.memory_space<vmem>>) target_semaphore(%arg15 : memref<!tpu.dma_semaphore, #tpu.memory_space<semaphore_mem>>)
      %dma_start3A_59 = arith.constant 896 : i32
      %dma_start3A_60 = tpu.memref_slice %arg3[%multiple_of3A, %dma_start3A_59] : memref<200x1000xf32, #tpu.memory_space<hbm>> -> memref<8x104xf32, #tpu.memory_space<hbm>>
      %dma_start3A_61 = arith.constant 896 : i32
      %dma_start3A_62 = tpu.memref_slice %arg3[%multiple_of3A, %dma_start3A_61] : memref<200x1000xf32, #tpu.memory_space<hbm>> -> memref<8x104xf32, #tpu.memory_space<hbm>>
      tpu.enqueue_dma source(%dma_start3A_62 : memref<8x104xf32, #tpu.memory_space<hbm>>) target(%arg13 : memref<8x104xf32, #tpu.memory_space<vmem>>) target_semaphore(%arg15 : memref<!tpu.dma_semaphore, #tpu.memory_space<semaphore_mem>>)
      %dma_start3A_63 = arith.constant 128 : i32
      %dma_start3A_64 = tpu.memref_slice %arg5[%multiple_of3A, %dma_start3A_63] : memref<200x200xf32, #tpu.memory_space<hbm>> -> memref<8x72xf32, #tpu.memory_space<hbm>>
      %dma_start3A_65 = arith.constant 128 : i32
      %dma_start3A_66 = tpu.memref_slice %arg5[%multiple_of3A, %dma_start3A_65] : memref<200x200xf32, #tpu.memory_space<hbm>> -> memref<8x72xf32, #tpu.memory_space<hbm>>
      tpu.enqueue_dma source(%dma_start3A_66 : memref<8x72xf32, #tpu.memory_space<hbm>>) target(%arg14 : memref<8x72xf32, #tpu.memory_space<vmem>>) target_semaphore(%arg15 : memref<!tpu.dma_semaphore, #tpu.memory_space<semaphore_mem>>)
      %dma_wait3A = arith.constant 0 : i32
      %dma_wait3A_67 = arith.constant 0 : i32
      %dma_wait3A_68 = tpu.memref_slice %arg11[%dma_wait3A, %dma_wait3A_67] : memref<1x6400xf32, #tpu.memory_space<vmem>> -> memref<1x3968xf32, #tpu.memory_space<vmem>>
      %dma_wait3A_69 = arith.constant 0 : i32
      %dma_wait3A_70 = tpu.memref_slice %arg10[%dma_wait3A_69] : memref<16xi32, #tpu.memory_space<vmem>> -> memref<1xi32, #tpu.memory_space<vmem>>
      %dma_wait3A_71 = arith.constant 0 : i32
      %dma_wait3A_72 = arith.constant 96000 : i32
      %dma_wait3A_73 = tpu.memref_slice %arg4[%dma_wait3A_71, %dma_wait3A_72] : memref<200x100000xf32, #tpu.memory_space<hbm>> -> memref<200x3968xf32, #tpu.memory_space<hbm>>
      tpu.wait_indirect_dma semaphore(%arg15 : memref<!tpu.dma_semaphore, #tpu.memory_space<semaphore_mem>>) src(%dma_wait3A_73 : memref<200x3968xf32, #tpu.memory_space<hbm>>) dst(%dma_wait3A_68 : memref<1x3968xf32, #tpu.memory_space<vmem>>)
      %dma_wait3A_74 = arith.constant 0 : i32
      %dma_wait3A_75 = arith.constant 4096 : i32
      %dma_wait3A_76 = tpu.memref_slice %arg11[%dma_wait3A_74, %dma_wait3A_75] : memref<1x6400xf32, #tpu.memory_space<vmem>> -> memref<1x896xf32, #tpu.memory_space<vmem>>
      %dma_wait3A_77 = arith.constant 0 : i32
      %dma_wait3A_78 = tpu.memref_slice %arg10[%dma_wait3A_77] : memref<16xi32, #tpu.memory_space<vmem>> -> memref<1xi32, #tpu.memory_space<vmem>>
      %dma_wait3A_79 = arith.constant 0 : i32
      %dma_wait3A_80 = arith.constant 0 : i32
      %dma_wait3A_81 = tpu.memref_slice %arg3[%dma_wait3A_79, %dma_wait3A_80] : memref<200x1000xf32, #tpu.memory_space<hbm>> -> memref<200x896xf32, #tpu.memory_space<hbm>>
      tpu.wait_indirect_dma semaphore(%arg15 : memref<!tpu.dma_semaphore, #tpu.memory_space<semaphore_mem>>) src(%dma_wait3A_81 : memref<200x896xf32, #tpu.memory_space<hbm>>) dst(%dma_wait3A_76 : memref<1x896xf32, #tpu.memory_space<vmem>>)
      %dma_wait3A_82 = arith.constant 0 : i32
      %dma_wait3A_83 = arith.constant 4992 : i32
      %dma_wait3A_84 = tpu.memref_slice %arg11[%dma_wait3A_82, %dma_wait3A_83] : memref<1x6400xf32, #tpu.memory_space<vmem>> -> memref<1x128xf32, #tpu.memory_space<vmem>>
      %dma_wait3A_85 = arith.constant 0 : i32
      %dma_wait3A_86 = tpu.memref_slice %arg10[%dma_wait3A_85] : memref<16xi32, #tpu.memory_space<vmem>> -> memref<1xi32, #tpu.memory_space<vmem>>
      %dma_wait3A_87 = arith.constant 0 : i32
      %dma_wait3A_88 = arith.constant 0 : i32
      %dma_wait3A_89 = tpu.memref_slice %arg5[%dma_wait3A_87, %dma_wait3A_88] : memref<200x200xf32, #tpu.memory_space<hbm>> -> memref<200x128xf32, #tpu.memory_space<hbm>>
      tpu.wait_indirect_dma semaphore(%arg15 : memref<!tpu.dma_semaphore, #tpu.memory_space<semaphore_mem>>) src(%dma_wait3A_89 : memref<200x128xf32, #tpu.memory_space<hbm>>) dst(%dma_wait3A_84 : memref<1x128xf32, #tpu.memory_space<vmem>>)
      %dma_wait3A_90 = arith.constant 99968 : i32
      %dma_wait3A_91 = tpu.memref_slice %arg4[%multiple_of3A, %dma_wait3A_90] : memref<200x100000xf32, #tpu.memory_space<hbm>> -> memref<8x32xf32, #tpu.memory_space<hbm>>
      %dma_wait3A_92 = arith.constant 99968 : i32
      %dma_wait3A_93 = tpu.memref_slice %arg4[%multiple_of3A, %dma_wait3A_92] : memref<200x100000xf32, #tpu.memory_space<hbm>> -> memref<8x32xf32, #tpu.memory_space<hbm>>
      tpu.wait_dma2 semaphore(%arg15 : memref<!tpu.dma_semaphore, #tpu.memory_space<semaphore_mem>>) src(%dma_wait3A_93 : memref<8x32xf32, #tpu.memory_space<hbm>>) dst(%arg12 : memref<8x32xf32, #tpu.memory_space<vmem>>)
      %dma_wait3A_94 = arith.constant 896 : i32
      %dma_wait3A_95 = tpu.memref_slice %arg3[%multiple_of3A, %dma_wait3A_94] : memref<200x1000xf32, #tpu.memory_space<hbm>> -> memref<8x104xf32, #tpu.memory_space<hbm>>
      %dma_wait3A_96 = arith.constant 896 : i32
      %dma_wait3A_97 = tpu.memref_slice %arg3[%multiple_of3A, %dma_wait3A_96] : memref<200x1000xf32, #tpu.memory_space<hbm>> -> memref<8x104xf32, #tpu.memory_space<hbm>>
      tpu.wait_dma2 semaphore(%arg15 : memref<!tpu.dma_semaphore, #tpu.memory_space<semaphore_mem>>) src(%dma_wait3A_97 : memref<8x104xf32, #tpu.memory_space<hbm>>) dst(%arg13 : memref<8x104xf32, #tpu.memory_space<vmem>>)
      %dma_wait3A_98 = arith.constant 128 : i32
      %dma_wait3A_99 = tpu.memref_slice %arg5[%multiple_of3A, %dma_wait3A_98] : memref<200x200xf32, #tpu.memory_space<hbm>> -> memref<8x72xf32, #tpu.memory_space<hbm>>
      %dma_wait3A_100 = arith.constant 128 : i32
      %dma_wait3A_101 = tpu.memref_slice %arg5[%multiple_of3A, %dma_wait3A_100] : memref<200x200xf32, #tpu.memory_space<hbm>> -> memref<8x72xf32, #tpu.memory_space<hbm>>
      tpu.wait_dma2 semaphore(%arg15 : memref<!tpu.dma_semaphore, #tpu.memory_space<semaphore_mem>>) src(%dma_wait3A_101 : memref<8x72xf32, #tpu.memory_space<hbm>>) dst(%arg14 : memref<8x72xf32, #tpu.memory_space<vmem>>)
      %dma_start3A_102 = arith.constant 0 : i32
      %dma_start3A_103 = arith.constant 0 : i32
      %dma_start3A_104 = tpu.memref_slice %arg11[%dma_start3A_102, %dma_start3A_103] : memref<1x6400xf32, #tpu.memory_space<vmem>> -> memref<1x3968xf32, #tpu.memory_space<vmem>>
      %dma_start3A_105 = tpu.memref_squeeze %dma_start3A_104 : memref<1x3968xf32, #tpu.memory_space<vmem>> -> memref<3968xf32, #tpu.memory_space<vmem>>
      %dma_start3A_106 = arith.constant 96000 : i32
      %dma_start3A_107 = tpu.memref_slice %arg7[%dma_start3A_106] : memref<100000xf32, #tpu.memory_space<hbm>> -> memref<3968xf32, #tpu.memory_space<hbm>>
      %dma_start3A_108 = arith.constant 96000 : i32
      %dma_start3A_109 = tpu.memref_slice %arg7[%dma_start3A_108] : memref<100000xf32, #tpu.memory_space<hbm>> -> memref<3968xf32, #tpu.memory_space<hbm>>
      %dma_start3A_110 = arith.constant 0 : i32
      %dma_start3A_111 = tpu.memref_slice %arg11[%dma_start3A_102, %dma_start3A_110] : memref<1x6400xf32, #tpu.memory_space<vmem>> -> memref<1x3968xf32, #tpu.memory_space<vmem>>
      %dma_start3A_112 = tpu.memref_squeeze %dma_start3A_111 : memref<1x3968xf32, #tpu.memory_space<vmem>> -> memref<3968xf32, #tpu.memory_space<vmem>>
      tpu.enqueue_dma source(%dma_start3A_112 : memref<3968xf32, #tpu.memory_space<vmem>>) target(%dma_start3A_109 : memref<3968xf32, #tpu.memory_space<hbm>>) target_semaphore(%arg15 : memref<!tpu.dma_semaphore, #tpu.memory_space<semaphore_mem>>)
      %dma_start3A_113 = arith.constant 0 : i32
      %dma_start3A_114 = arith.constant 4096 : i32
      %dma_start3A_115 = tpu.memref_slice %arg11[%dma_start3A_113, %dma_start3A_114] : memref<1x6400xf32, #tpu.memory_space<vmem>> -> memref<1x896xf32, #tpu.memory_space<vmem>>
      %dma_start3A_116 = tpu.memref_squeeze %dma_start3A_115 : memref<1x896xf32, #tpu.memory_space<vmem>> -> memref<896xf32, #tpu.memory_space<vmem>>
      %dma_start3A_117 = arith.constant 0 : i32
      %dma_start3A_118 = tpu.memref_slice %arg6[%dma_start3A_117] : memref<1000xf32, #tpu.memory_space<hbm>> -> memref<896xf32, #tpu.memory_space<hbm>>
      %dma_start3A_119 = arith.constant 0 : i32
      %dma_start3A_120 = tpu.memref_slice %arg6[%dma_start3A_119] : memref<1000xf32, #tpu.memory_space<hbm>> -> memref<896xf32, #tpu.memory_space<hbm>>
      %dma_start3A_121 = arith.constant 4096 : i32
      %dma_start3A_122 = tpu.memref_slice %arg11[%dma_start3A_113, %dma_start3A_121] : memref<1x6400xf32, #tpu.memory_space<vmem>> -> memref<1x896xf32, #tpu.memory_space<vmem>>
      %dma_start3A_123 = tpu.memref_squeeze %dma_start3A_122 : memref<1x896xf32, #tpu.memory_space<vmem>> -> memref<896xf32, #tpu.memory_space<vmem>>
      tpu.enqueue_dma source(%dma_start3A_123 : memref<896xf32, #tpu.memory_space<vmem>>) target(%dma_start3A_120 : memref<896xf32, #tpu.memory_space<hbm>>) target_semaphore(%arg15 : memref<!tpu.dma_semaphore, #tpu.memory_space<semaphore_mem>>)
      %dma_start3A_124 = arith.constant 0 : i32
      %dma_start3A_125 = arith.constant 4992 : i32
      %dma_start3A_126 = tpu.memref_slice %arg11[%dma_start3A_124, %dma_start3A_125] : memref<1x6400xf32, #tpu.memory_space<vmem>> -> memref<1x128xf32, #tpu.memory_space<vmem>>
      %dma_start3A_127 = tpu.memref_squeeze %dma_start3A_126 : memref<1x128xf32, #tpu.memory_space<vmem>> -> memref<128xf32, #tpu.memory_space<vmem>>
      %dma_start3A_128 = arith.constant 0 : i32
      %dma_start3A_129 = tpu.memref_slice %arg8[%dma_start3A_128] : memref<200xf32, #tpu.memory_space<hbm>> -> memref<128xf32, #tpu.memory_space<hbm>>
      %dma_start3A_130 = arith.constant 0 : i32
      %dma_start3A_131 = tpu.memref_slice %arg8[%dma_start3A_130] : memref<200xf32, #tpu.memory_space<hbm>> -> memref<128xf32, #tpu.memory_space<hbm>>
      %dma_start3A_132 = arith.constant 4992 : i32
      %dma_start3A_133 = tpu.memref_slice %arg11[%dma_start3A_124, %dma_start3A_132] : memref<1x6400xf32, #tpu.memory_space<vmem>> -> memref<1x128xf32, #tpu.memory_space<vmem>>
      %dma_start3A_134 = tpu.memref_squeeze %dma_start3A_133 : memref<1x128xf32, #tpu.memory_space<vmem>> -> memref<128xf32, #tpu.memory_space<vmem>>
      tpu.enqueue_dma source(%dma_start3A_134 : memref<128xf32, #tpu.memory_space<vmem>>) target(%dma_start3A_131 : memref<128xf32, #tpu.memory_space<hbm>>) target_semaphore(%arg15 : memref<!tpu.dma_semaphore, #tpu.memory_space<semaphore_mem>>)
      %dma_start3A_135 = arith.constant 0 : i32
      %dma_start3A_136 = tpu.memref_slice %arg12[%sub3A_25, %dma_start3A_135] : memref<8x32xf32, #tpu.memory_space<vmem>> -> memref<1x32xf32, #tpu.memory_space<vmem>>
      %dma_start3A_137 = tpu.memref_squeeze %dma_start3A_136 : memref<1x32xf32, #tpu.memory_space<vmem>> -> memref<32xf32, #tpu.memory_space<vmem>>
      %dma_start3A_138 = arith.constant 99968 : i32
      %dma_start3A_139 = tpu.memref_slice %arg7[%dma_start3A_138] : memref<100000xf32, #tpu.memory_space<hbm>> -> memref<32xf32, #tpu.memory_space<hbm>>
      %dma_start3A_140 = arith.constant 99968 : i32
      %dma_start3A_141 = tpu.memref_slice %arg7[%dma_start3A_140] : memref<100000xf32, #tpu.memory_space<hbm>> -> memref<32xf32, #tpu.memory_space<hbm>>
      %dma_start3A_142 = arith.constant 0 : i32
      %dma_start3A_143 = tpu.memref_slice %arg12[%sub3A_25, %dma_start3A_142] : memref<8x32xf32, #tpu.memory_space<vmem>> -> memref<1x32xf32, #tpu.memory_space<vmem>>
      %dma_start3A_144 = tpu.memref_squeeze %dma_start3A_143 : memref<1x32xf32, #tpu.memory_space<vmem>> -> memref<32xf32, #tpu.memory_space<vmem>>
      tpu.enqueue_dma source(%dma_start3A_144 : memref<32xf32, #tpu.memory_space<vmem>>) target(%dma_start3A_141 : memref<32xf32, #tpu.memory_space<hbm>>) target_semaphore(%arg15 : memref<!tpu.dma_semaphore, #tpu.memory_space<semaphore_mem>>)
      %dma_start3A_145 = arith.constant 0 : i32
      %dma_start3A_146 = tpu.memref_slice %arg13[%sub3A_25, %dma_start3A_145] : memref<8x104xf32, #tpu.memory_space<vmem>> -> memref<1x104xf32, #tpu.memory_space<vmem>>
      %dma_start3A_147 = tpu.memref_squeeze %dma_start3A_146 : memref<1x104xf32, #tpu.memory_space<vmem>> -> memref<104xf32, #tpu.memory_space<vmem>>
      %dma_start3A_148 = arith.constant 896 : i32
      %dma_start3A_149 = tpu.memref_slice %arg6[%dma_start3A_148] : memref<1000xf32, #tpu.memory_space<hbm>> -> memref<104xf32, #tpu.memory_space<hbm>>
      %dma_start3A_150 = arith.constant 896 : i32
      %dma_start3A_151 = tpu.memref_slice %arg6[%dma_start3A_150] : memref<1000xf32, #tpu.memory_space<hbm>> -> memref<104xf32, #tpu.memory_space<hbm>>
      %dma_start3A_152 = arith.constant 0 : i32
      %dma_start3A_153 = tpu.memref_slice %arg13[%sub3A_25, %dma_start3A_152] : memref<8x104xf32, #tpu.memory_space<vmem>> -> memref<1x104xf32, #tpu.memory_space<vmem>>
      %dma_start3A_154 = tpu.memref_squeeze %dma_start3A_153 : memref<1x104xf32, #tpu.memory_space<vmem>> -> memref<104xf32, #tpu.memory_space<vmem>>
      tpu.enqueue_dma source(%dma_start3A_154 : memref<104xf32, #tpu.memory_space<vmem>>) target(%dma_start3A_151 : memref<104xf32, #tpu.memory_space<hbm>>) target_semaphore(%arg15 : memref<!tpu.dma_semaphore, #tpu.memory_space<semaphore_mem>>)
      %dma_start3A_155 = arith.constant 0 : i32
      %dma_start3A_156 = tpu.memref_slice %arg14[%sub3A_25, %dma_start3A_155] : memref<8x72xf32, #tpu.memory_space<vmem>> -> memref<1x72xf32, #tpu.memory_space<vmem>>
      %dma_start3A_157 = tpu.memref_squeeze %dma_start3A_156 : memref<1x72xf32, #tpu.memory_space<vmem>> -> memref<72xf32, #tpu.memory_space<vmem>>
      %dma_start3A_158 = arith.constant 128 : i32
      %dma_start3A_159 = tpu.memref_slice %arg8[%dma_start3A_158] : memref<200xf32, #tpu.memory_space<hbm>> -> memref<72xf32, #tpu.memory_space<hbm>>
      %dma_start3A_160 = arith.constant 128 : i32
      %dma_start3A_161 = tpu.memref_slice %arg8[%dma_start3A_160] : memref<200xf32, #tpu.memory_space<hbm>> -> memref<72xf32, #tpu.memory_space<hbm>>
      %dma_start3A_162 = arith.constant 0 : i32
      %dma_start3A_163 = tpu.memref_slice %arg14[%sub3A_25, %dma_start3A_162] : memref<8x72xf32, #tpu.memory_space<vmem>> -> memref<1x72xf32, #tpu.memory_space<vmem>>
      %dma_start3A_164 = tpu.memref_squeeze %dma_start3A_163 : memref<1x72xf32, #tpu.memory_space<vmem>> -> memref<72xf32, #tpu.memory_space<vmem>>
      tpu.enqueue_dma source(%dma_start3A_164 : memref<72xf32, #tpu.memory_space<vmem>>) target(%dma_start3A_161 : memref<72xf32, #tpu.memory_space<hbm>>) target_semaphore(%arg15 : memref<!tpu.dma_semaphore, #tpu.memory_space<semaphore_mem>>)
      %dma_wait3A_165 = arith.constant 0 : i32
      %dma_wait3A_166 = arith.constant 0 : i32
      %dma_wait3A_167 = tpu.memref_slice %arg11[%dma_wait3A_165, %dma_wait3A_166] : memref<1x6400xf32, #tpu.memory_space<vmem>> -> memref<1x3968xf32, #tpu.memory_space<vmem>>
      %dma_wait3A_168 = tpu.memref_squeeze %dma_wait3A_167 : memref<1x3968xf32, #tpu.memory_space<vmem>> -> memref<3968xf32, #tpu.memory_space<vmem>>
      %dma_wait3A_169 = arith.constant 96000 : i32
      %dma_wait3A_170 = tpu.memref_slice %arg7[%dma_wait3A_169] : memref<100000xf32, #tpu.memory_space<hbm>> -> memref<3968xf32, #tpu.memory_space<hbm>>
      %dma_wait3A_171 = arith.constant 96000 : i32
      %dma_wait3A_172 = tpu.memref_slice %arg7[%dma_wait3A_171] : memref<100000xf32, #tpu.memory_space<hbm>> -> memref<3968xf32, #tpu.memory_space<hbm>>
      %dma_wait3A_173 = arith.constant 0 : i32
      %dma_wait3A_174 = tpu.memref_slice %arg11[%dma_wait3A_165, %dma_wait3A_173] : memref<1x6400xf32, #tpu.memory_space<vmem>> -> memref<1x3968xf32, #tpu.memory_space<vmem>>
      %dma_wait3A_175 = tpu.memref_squeeze %dma_wait3A_174 : memref<1x3968xf32, #tpu.memory_space<vmem>> -> memref<3968xf32, #tpu.memory_space<vmem>>
      tpu.wait_dma2 semaphore(%arg15 : memref<!tpu.dma_semaphore, #tpu.memory_space<semaphore_mem>>) src(%dma_wait3A_175 : memref<3968xf32, #tpu.memory_space<vmem>>) dst(%dma_wait3A_172 : memref<3968xf32, #tpu.memory_space<hbm>>)
      %dma_wait3A_176 = arith.constant 0 : i32
      %dma_wait3A_177 = arith.constant 4096 : i32
      %dma_wait3A_178 = tpu.memref_slice %arg11[%dma_wait3A_176, %dma_wait3A_177] : memref<1x6400xf32, #tpu.memory_space<vmem>> -> memref<1x896xf32, #tpu.memory_space<vmem>>
      %dma_wait3A_179 = tpu.memref_squeeze %dma_wait3A_178 : memref<1x896xf32, #tpu.memory_space<vmem>> -> memref<896xf32, #tpu.memory_space<vmem>>
      %dma_wait3A_180 = arith.constant 0 : i32
      %dma_wait3A_181 = tpu.memref_slice %arg6[%dma_wait3A_180] : memref<1000xf32, #tpu.memory_space<hbm>> -> memref<896xf32, #tpu.memory_space<hbm>>
      %dma_wait3A_182 = arith.constant 0 : i32
      %dma_wait3A_183 = tpu.memref_slice %arg6[%dma_wait3A_182] : memref<1000xf32, #tpu.memory_space<hbm>> -> memref<896xf32, #tpu.memory_space<hbm>>
      %dma_wait3A_184 = arith.constant 4096 : i32
      %dma_wait3A_185 = tpu.memref_slice %arg11[%dma_wait3A_176, %dma_wait3A_184] : memref<1x6400xf32, #tpu.memory_space<vmem>> -> memref<1x896xf32, #tpu.memory_space<vmem>>
      %dma_wait3A_186 = tpu.memref_squeeze %dma_wait3A_185 : memref<1x896xf32, #tpu.memory_space<vmem>> -> memref<896xf32, #tpu.memory_space<vmem>>
      tpu.wait_dma2 semaphore(%arg15 : memref<!tpu.dma_semaphore, #tpu.memory_space<semaphore_mem>>) src(%dma_wait3A_186 : memref<896xf32, #tpu.memory_space<vmem>>) dst(%dma_wait3A_183 : memref<896xf32, #tpu.memory_space<hbm>>)
      %dma_wait3A_187 = arith.constant 0 : i32
      %dma_wait3A_188 = arith.constant 4992 : i32
      %dma_wait3A_189 = tpu.memref_slice %arg11[%dma_wait3A_187, %dma_wait3A_188] : memref<1x6400xf32, #tpu.memory_space<vmem>> -> memref<1x128xf32, #tpu.memory_space<vmem>>
      %dma_wait3A_190 = tpu.memref_squeeze %dma_wait3A_189 : memref<1x128xf32, #tpu.memory_space<vmem>> -> memref<128xf32, #tpu.memory_space<vmem>>
      %dma_wait3A_191 = arith.constant 0 : i32
      %dma_wait3A_192 = tpu.memref_slice %arg8[%dma_wait3A_191] : memref<200xf32, #tpu.memory_space<hbm>> -> memref<128xf32, #tpu.memory_space<hbm>>
      %dma_wait3A_193 = arith.constant 0 : i32
      %dma_wait3A_194 = tpu.memref_slice %arg8[%dma_wait3A_193] : memref<200xf32, #tpu.memory_space<hbm>> -> memref<128xf32, #tpu.memory_space<hbm>>
      %dma_wait3A_195 = arith.constant 4992 : i32
      %dma_wait3A_196 = tpu.memref_slice %arg11[%dma_wait3A_187, %dma_wait3A_195] : memref<1x6400xf32, #tpu.memory_space<vmem>> -> memref<1x128xf32, #tpu.memory_space<vmem>>
      %dma_wait3A_197 = tpu.memref_squeeze %dma_wait3A_196 : memref<1x128xf32, #tpu.memory_space<vmem>> -> memref<128xf32, #tpu.memory_space<vmem>>
      tpu.wait_dma2 semaphore(%arg15 : memref<!tpu.dma_semaphore, #tpu.memory_space<semaphore_mem>>) src(%dma_wait3A_197 : memref<128xf32, #tpu.memory_space<vmem>>) dst(%dma_wait3A_194 : memref<128xf32, #tpu.memory_space<hbm>>)
      %dma_wait3A_198 = arith.constant 0 : i32
      %dma_wait3A_199 = tpu.memref_slice %arg12[%sub3A_25, %dma_wait3A_198] : memref<8x32xf32, #tpu.memory_space<vmem>> -> memref<1x32xf32, #tpu.memory_space<vmem>>
      %dma_wait3A_200 = tpu.memref_squeeze %dma_wait3A_199 : memref<1x32xf32, #tpu.memory_space<vmem>> -> memref<32xf32, #tpu.memory_space<vmem>>
      %dma_wait3A_201 = arith.constant 99968 : i32
      %dma_wait3A_202 = tpu.memref_slice %arg7[%dma_wait3A_201] : memref<100000xf32, #tpu.memory_space<hbm>> -> memref<32xf32, #tpu.memory_space<hbm>>
      %dma_wait3A_203 = arith.constant 99968 : i32
      %dma_wait3A_204 = tpu.memref_slice %arg7[%dma_wait3A_203] : memref<100000xf32, #tpu.memory_space<hbm>> -> memref<32xf32, #tpu.memory_space<hbm>>
      %dma_wait3A_205 = arith.constant 0 : i32
      %dma_wait3A_206 = tpu.memref_slice %arg12[%sub3A_25, %dma_wait3A_205] : memref<8x32xf32, #tpu.memory_space<vmem>> -> memref<1x32xf32, #tpu.memory_space<vmem>>
      %dma_wait3A_207 = tpu.memref_squeeze %dma_wait3A_206 : memref<1x32xf32, #tpu.memory_space<vmem>> -> memref<32xf32, #tpu.memory_space<vmem>>
      tpu.wait_dma2 semaphore(%arg15 : memref<!tpu.dma_semaphore, #tpu.memory_space<semaphore_mem>>) src(%dma_wait3A_207 : memref<32xf32, #tpu.memory_space<vmem>>) dst(%dma_wait3A_204 : memref<32xf32, #tpu.memory_space<hbm>>)
      %dma_wait3A_208 = arith.constant 0 : i32
      %dma_wait3A_209 = tpu.memref_slice %arg13[%sub3A_25, %dma_wait3A_208] : memref<8x104xf32, #tpu.memory_space<vmem>> -> memref<1x104xf32, #tpu.memory_space<vmem>>
      %dma_wait3A_210 = tpu.memref_squeeze %dma_wait3A_209 : memref<1x104xf32, #tpu.memory_space<vmem>> -> memref<104xf32, #tpu.memory_space<vmem>>
      %dma_wait3A_211 = arith.constant 896 : i32
      %dma_wait3A_212 = tpu.memref_slice %arg6[%dma_wait3A_211] : memref<1000xf32, #tpu.memory_space<hbm>> -> memref<104xf32, #tpu.memory_space<hbm>>
      %dma_wait3A_213 = arith.constant 896 : i32
      %dma_wait3A_214 = tpu.memref_slice %arg6[%dma_wait3A_213] : memref<1000xf32, #tpu.memory_space<hbm>> -> memref<104xf32, #tpu.memory_space<hbm>>
      %dma_wait3A_215 = arith.constant 0 : i32
      %dma_wait3A_216 = tpu.memref_slice %arg13[%sub3A_25, %dma_wait3A_215] : memref<8x104xf32, #tpu.memory_space<vmem>> -> memref<1x104xf32, #tpu.memory_space<vmem>>
      %dma_wait3A_217 = tpu.memref_squeeze %dma_wait3A_216 : memref<1x104xf32, #tpu.memory_space<vmem>> -> memref<104xf32, #tpu.memory_space<vmem>>
      tpu.wait_dma2 semaphore(%arg15 : memref<!tpu.dma_semaphore, #tpu.memory_space<semaphore_mem>>) src(%dma_wait3A_217 : memref<104xf32, #tpu.memory_space<vmem>>) dst(%dma_wait3A_214 : memref<104xf32, #tpu.memory_space<hbm>>)
      %dma_wait3A_218 = arith.constant 0 : i32
      %dma_wait3A_219 = tpu.memref_slice %arg14[%sub3A_25, %dma_wait3A_218] : memref<8x72xf32, #tpu.memory_space<vmem>> -> memref<1x72xf32, #tpu.memory_space<vmem>>
      %dma_wait3A_220 = tpu.memref_squeeze %dma_wait3A_219 : memref<1x72xf32, #tpu.memory_space<vmem>> -> memref<72xf32, #tpu.memory_space<vmem>>
      %dma_wait3A_221 = arith.constant 128 : i32
      %dma_wait3A_222 = tpu.memref_slice %arg8[%dma_wait3A_221] : memref<200xf32, #tpu.memory_space<hbm>> -> memref<72xf32, #tpu.memory_space<hbm>>
      %dma_wait3A_223 = arith.constant 128 : i32
      %dma_wait3A_224 = tpu.memref_slice %arg8[%dma_wait3A_223] : memref<200xf32, #tpu.memory_space<hbm>> -> memref<72xf32, #tpu.memory_space<hbm>>
      %dma_wait3A_225 = arith.constant 0 : i32
      %dma_wait3A_226 = tpu.memref_slice %arg14[%sub3A_25, %dma_wait3A_225] : memref<8x72xf32, #tpu.memory_space<vmem>> -> memref<1x72xf32, #tpu.memory_space<vmem>>
      %dma_wait3A_227 = tpu.memref_squeeze %dma_wait3A_226 : memref<1x72xf32, #tpu.memory_space<vmem>> -> memref<72xf32, #tpu.memory_space<vmem>>
      tpu.wait_dma2 semaphore(%arg15 : memref<!tpu.dma_semaphore, #tpu.memory_space<semaphore_mem>>) src(%dma_wait3A_227 : memref<72xf32, #tpu.memory_space<vmem>>) dst(%dma_wait3A_224 : memref<72xf32, #tpu.memory_space<hbm>>)
    } else {
    }
    return
  }
}

</mosaic_0001>

<sc_bundles>
// kernel: _select_rows.3.cloned.1.call-start
scs
__scs_entry_jumppad:
0x0: {  	(pc) =	sbr.rel $0x88, $3  }
0x1: {  	(tag) =	ssettag $0x0;
	lr =	simm.s32 $0x1  }
0x2: {  	[smem:$0x3F9D] =	sst lr;
	_ =	strace $0xD0000000  }
0x3: {  	_ = 	snop  }
0x4: {  	_ = 	snop  }
0x5: {  	_ = 	snop  }
0x6: {  	_ = 	snop  }
0x7: {  	_ = 	snop  }
__scs_overlays_trampoline_lowered:
0x8: {  	[smem:$0x3FAC] =	sst s0  }
0x9: {  	[smem:$0x3FAD] =	sst s1  }
0xa: {  	[smem:$0x3FAE] =	sst s2  }
0xb: {  	[smem:$0x3FAF] =	sst s3  }
0xc: {  	[smem:$0x3FB0] =	sst s4  }
0xd: {  	[smem:$0x3FB1] =	sst s5  }
0xe: {  	[smem:$0x3FB2] =	sst s6  }
0xf: {  	[smem:$0x3FB3] =	sst s7  }
0x10: {  	[smem:$0x3FB4] =	sst s8  }
0x11: {  	[smem:$0x3FB5] =	sst s9;
	s0 =	simm.s32 @!p0 $0x0  }
0x12: {  	s1 =	sld [smem:$0x3F9B];
	s0 =	simm.s32 @p0 $0x1  }
0x13: {  	[smem:$0x3FB6] =	sst s0;
	s0 =	simm.s32 @!p1 $0x0  }
0x14: {  	s2 =	sld [smem:$0x3F9A];
	s0 =	simm.s32 @p1 $0x1  }
0x15: {  	[smem:$0x3FB7] =	sst s0;
	s0 =	simm.s32 @!p2 $0x0  }
0x16: {  	s3 =	sld [smem:$0x3FDB];
	s0 =	simm.s32 @p2 $0x1  }
0x17: {  	s4 =	simm.s32 $0x1BF5;
	[smem:$0x3FB9] =	sst s0  }
0x18: {  	s0 =	sld [smem:$0x3F9C];
	_ =	swait.ge [sflag:s4], $0x0  }
0x19: {  	s7 =	sld [smem:$0x3F9D]  }
0x1a: {  	s8 =	sadd.s32 $0xFFFFE003, lr  }
0x1b: {  	s9 =	sadd.s32 $0xFFFFFEF7, lr;
	s5 =	simm.s32 $0xFFFFFFFF;
	p2 =	slt.u32 s8, $0xFFFFF086  }
0x1c: {  	p1 =	slt.u32 s9, $0xF7A;
	s5 =	simm.s32 @!p2 $0x0  }
0x1d: {  	s5 =	simm.s32 @p1 $0x1;
	p0 =	seq.s32 s7, s2  }
0x1e: {  	s7 =	smul.u32 @!p0 $0xF7A, s2;
	p2 =	seq.s32 @!p0 s5, $0x0  }
0x1f: {  	s9 =	smul.u32 $0xF7A, s1;
	s8 =	simm.s32 @!p0 $0x1BF5;
	p2 =	por !p2, p0  }
0x20: {  	[sflag:s8] =	ssyncset.s32 @!p0 $0xFFFFF086;
	s6 =	sadd.s32 @!p0 s3, s7;
	s7 =	simm.s32 @!p0 $0x108  }
0x21: {  	s3 =	sadd.s32 s3, s9;
	s6 =	sadd.s32 @!p0 $0x88, s6;
	s7 =	simm.s32 @p2 $0x1082  }
0x22: {  	[simem:s7], [sflag:s8] =	dma.local @!p0 [hbm:s6], $0xF7A  }
0x23: {  	s9 =	sor.u32 $0xD0000000, s2;
	s6 =	simm.s32 $0x108;
	_ =	swait.ge @!p0 [sflag:s8], $0x0  }
0x24: {  	s3 =	sadd.s32 $0x88, s3;
	s6 =	simm.s32 @!p1 $0x1082;
	[sflag:s4] =	ssyncset.s32 $0xFFFFF086  }
0x25: {  	[simem:s6], [sflag:s4] =	dma.local [hbm:s3], $0xF7A  }
0x26: {  	[smem:$0x3F9D] =	sst s1;
	(tag) =	ssettag s2;
	_ =	strace s9  }
0x27: {  	s1 =	sld [smem:$0x3FAD]  }
0x28: {  	s2 =	sld [smem:$0x3FAE]  }
0x29: {  	s4 =	sld [smem:$0x3FB0]  }
0x2a: {  	p0 =	seq.s32 s5, $0x0;
	s5 =	sld [smem:$0x3FB1]  }
0x2b: {  	s6 =	sld [smem:$0x3FB2]  }
0x2c: {  	s7 =	sld [smem:$0x3FB3]  }
0x2d: {  	s3 =	simm.s32 $0x108;
	s8 =	sld [smem:$0x3FB4]  }
0x2e: {  	s3 =	simm.s32 @!p0 $0x1082;
	s9 =	sld [smem:$0x3FB5]  }
0x2f: {  	lr =	sadd.s32 s0, s3;
	s0 =	sld [smem:$0x3FAC]  }
0x30: {  	s3 =	sld [smem:$0x3FAF]  }
0x31: {  	[smem:$0x3FB8] =	sst s10  }
0x32: {  	s10 =	sld [smem:$0x3FB6];
	_ =	sdelay $0x3  }
0x33: {  	p0 =	seq.s32 s10, $0x1;
	s10 =	sld [smem:$0x3FB8];
	_ =	sdelay $0x3  }
0x34: {  	[smem:$0x3FB8] =	sst s10  }
0x35: {  	s10 =	sld [smem:$0x3FB7];
	_ =	sdelay $0x3  }
0x36: {  	p1 =	seq.s32 s10, $0x1;
	s10 =	sld [smem:$0x3FB8];
	_ =	sdelay $0x3  }
0x37: {  	[smem:$0x3FB8] =	sst s10  }
0x38: {  	s10 =	sld [smem:$0x3FB9]  }
0x39: {  	_ = 	snop;
	(pc) =	sbr.ind lr, $3  }
0x3a: {  	_ = 	snop  }
0x3b: {  	_ = 	snop  }
0x3c: {  	p2 =	seq.s32 s10, $0x1;
	s10 =	sld [smem:$0x3FB8]  }
0x3d: {  	_ =	shalt  }
0x3e: {  	_ =	shalt  }
0x3f: {  	_ =	shalt  }
0x40: {  	_ =	shalt  }
0x41: {  	_ =	shalt  }
0x42: {  	_ =	shalt  }
0x43: {  	_ =	shalt  }
0x44: {  	_ =	shalt  }
0x45: {  	_ =	shalt  }
0x46: {  	_ =	shalt  }
0x47: {  	_ =	shalt  }
0x48: {  	_ =	shalt  }
0x49: {  	_ =	shalt  }
0x4a: {  	_ =	shalt  }
0x4b: {  	_ =	shalt  }
0x4c: {  	_ =	shalt  }
0x4d: {  	_ =	shalt  }
0x4e: {  	_ =	shalt  }
0x4f: {  	_ =	shalt  }
0x50: {  	_ =	shalt  }
0x51: {  	_ =	shalt  }
0x52: {  	_ =	shalt  }
0x53: {  	_ =	shalt  }
0x54: {  	_ =	shalt  }
0x55: {  	_ =	shalt  }
0x56: {  	_ =	shalt  }
0x57: {  	_ =	shalt  }
0x58: {  	_ =	shalt  }
0x59: {  	_ =	shalt  }
0x5a: {  	_ =	shalt  }
0x5b: {  	_ =	shalt  }
0x5c: {  	_ =	shalt  }
0x5d: {  	_ =	shalt  }
0x5e: {  	_ =	shalt  }
0x5f: {  	_ =	shalt  }
0x60: {  	_ =	shalt  }
0x61: {  	_ =	shalt  }
0x62: {  	_ =	shalt  }
0x63: {  	_ =	shalt  }
0x64: {  	_ =	shalt  }
0x65: {  	_ =	shalt  }
0x66: {  	_ =	shalt  }
0x67: {  	_ =	shalt  }
0x68: {  	_ =	shalt  }
0x69: {  	_ =	shalt  }
0x6a: {  	_ =	shalt  }
0x6b: {  	_ =	shalt  }
0x6c: {  	_ =	shalt  }
0x6d: {  	_ =	shalt  }
0x6e: {  	_ =	shalt  }
0x6f: {  	_ =	shalt  }
0x70: {  	_ =	shalt  }
0x71: {  	_ =	shalt  }
0x72: {  	_ =	shalt  }
0x73: {  	_ =	shalt  }
0x74: {  	_ =	shalt  }
0x75: {  	_ =	shalt  }
0x76: {  	_ =	shalt  }
0x77: {  	_ =	shalt  }
0x78: {  	_ =	shalt  }
0x79: {  	_ =	shalt  }
0x7a: {  	_ =	shalt  }
0x7b: {  	_ =	shalt  }
0x7c: {  	_ =	shalt  }
0x7d: {  	_ =	shalt  }
0x7e: {  	_ =	shalt  }
0x7f: {  	_ =	shalt  }
0x80: {  	_ =	shalt  }
0x81: {  	_ =	shalt  }
0x82: {  	_ =	shalt  }
0x83: {  	_ =	shalt  }
0x84: {  	_ =	shalt  }
0x85: {  	_ =	shalt  }
0x86: {  	_ =	shalt  }
0x87: {  	_ =	shalt  }
.Lfunc_end0:
.L_simem_size_0:
called_computation_lowered:
.L_overlay_start_0:
0x88: {  	s0 =	sld [smem:$0x3FD9]  }
0x89: {  	s1 =	sld [smem:$0x3FFE];
	_ =	sdelay $0x3  }
0x8a: {  	s0 =	sadd.s32 s1, s0  }
0x8b: {  	[smem:$0x3FC4] =	sst s0  }
0x8c: {  	_ = 	snop  }
0x8d: {  	s0 =	sld [smem:$0x3FC9]  }
0x8e: {  	s14 =	sld [smem:$0x3FD0]  }
0x8f: {  	s2 =	sld [smem:$0x3FC8]  }
0x90: {  	s3 =	sld [smem:$0x3FC7]  }
0x91: {  	s5 =	simm.s32 $0xA;
	s6 =	simm.s32 $0x10;
	s4 =	sld [smem:$0x3FC6]  }
0x92: {  	[smem:s6], [sflag:s5] =	dma.local [hbm:s14], $0x1  }
0x93: {  	_ =	swait.eq [sflag:s5], $0x1  }
0x94: {  	s15 =	sld [smem:$0x10];
	[sflag:s5] =	ssyncset.done $0x0  }
0x95: {  	s16 =	sld [smem:$0x11];
	[sflag:s5] =	ssyncadd.s32 $0xFFFFFFFF  }
0x96: {  	s17 =	sld [smem:$0x12];
	(tm) =	ssettm $0x1  }
0x97: {  	s7 =	sld [smem:$0x3FFB];
	_ =	sdelay $0x3  }
0x98: {  	_ =	strace s7  }
0x99: {  	s7 =	sld [smem:$0x3FFC];
	_ =	sdelay $0x3  }
0x9a: {  	_ =	strace s7  }
0x9b: {  	s7 =	sld [smem:$0x3FFD];
	_ =	sdelay $0x3  }
0x9c: {  	_ =	strace s7  }
0x9d: {  	_ =	strace $0x8FFFFFFF  }
0x9e: {  	s18 =	sld [smem:$0x3FDB];
	_ =	sdelay $0x1  }
0x9f: {  	s8 =	simm.s32 $_scs_section_size  }
0xa0: {  	s9 =	simm.s32 $_size__tile_overlayer_lowered;
	s10 =	simm.s32 $_tile_overlayer_lowered  }
0xa1: {  	s21 =	simm.s32 $0x1BFF;
	s20 =	sshll.u32 s10, $0x1;
	s7 =	sadd.s32 s8, s18  }
0xa2: {  	s11 =	simm.s32 $0x0;
	s19 =	sshll.u32 s9, $0x1;
	s9 =	sadd.s32 s20, s7  }
0xa3: {  	[timem:s11], [sflag:s21] =	dma.local [hbm:s9], s19  }
0xa4: {  	_ =	swait.ge [sflag:s21], s19  }
0xa5: {  	s8 =	ssub.s32 $0x0, s19;
	[sflag:s21] =	ssyncset.done $0x0  }
0xa6: {  	[sflag:s21] =	ssyncadd.s32 s8;
	_ =	sdelay $0x1  }
0xa7: {  	s22 =	simm.s32 $0x1B8B  }
0xa8: {  	_ =	swait.ge [sflag:s22], $0x1  }
0xa9: {  	[sflag:s22] =	ssyncset.done $0x0  }
0xaa: {  	s23 =	simm.s32 $0x1B8E;
	[sflag:s22] =	ssyncadd.s32 $0xFFFFFFFF  }
0xab: {  	s24 =	simm.s32 $execute0_lowered;
	[smem:$0x3FD2] =	sst s23  }
0xac: {  	s8 =	sshll.u32 s24, $0x1;
	_ =	strace $0x80000046;
	[dreg:$0x1] =	wrdreg $0xFFFFFFFF  }
0xad: {  	s25 =	simm.s32 $_size_execute0_lowered;
	s7 =	sadd.s32 s7, s8;
	[dreg:$0x0] =	wrdreg $0x0  }
0xae: {  	s8 =	sshll.u32 s25, $0x1;
	[dreg:$0x2] =	wrdreg s7  }
0xaf: {  	[dreg:$0x3] =	wrdreg s8  }
0xb0: {  	[dreg:$0x4] =	wrdreg $0xC0  }
0xb1: {  	_ =	task [dreg:s11], $0x5FFFF  }
0xb2: {  	[dreg:$0x1] =	wrdreg $0xFFFFFFFF  }
0xb3: {  	[dreg:$0x0] =	wrdreg $0x60  }
0xb4: {  	[dreg:$0x2] =	wrdreg s0  }
0xb5: {  	[dreg:$0x3] =	wrdreg s2  }
0xb6: {  	[dreg:$0x4] =	wrdreg s3  }
0xb7: {  	[dreg:$0x5] =	wrdreg s4  }
0xb8: {  	[dreg:$0x6] =	wrdreg s15  }
0xb9: {  	[dreg:$0x7] =	wrdreg s16  }
0xba: {  	[dreg:$0x8] =	wrdreg s17  }
0xbb: {  	[dreg:$0x9] =	wrdreg $0x9  }
0xbc: {  	_ =	task.clear_ibuf [dreg:s11], $0xAFFFF;
	_ =	strace $0x90000046  }
0xbd: {  	s26 =	simm.s32 $0x9;
	_ =	strace $0x80000048  }
0xbe: {  	_ =	swait.ge [sflag:s26], $0x1  }
0xbf: {  	[sflag:s26] =	ssyncadd.s32 $0xFFFFFFFF  }
0xc0: {  	_ =	strace $0x90000048  }
0xc1: {  	_ =	sfence  }
0xc2: {  	s28 =	sld [smem:$0x0];
	_ =	sdelay $0x1  }
0xc3: {  	s29 =	srdreg.scid  }
0xc4: {  	s30 =	sshll.u32 s29, $0xD;
	s31 =	sshrl.u32 s29, $0x2  }
0xc5: {  	s1 =	sand.u32 $0x1, s29;
	s2 =	sand.u32 $0x4000, s30;
	s0 =	sadd.s32 s31, s28  }
0xc6: {  	s1 =	sor.u32 s2, s1;
	s0 =	sshll.u32 s0, $0x11  }
0xc7: {  	s0 =	sor.u32 s0, s1  }
0xc8: {  	s0 =	sadd.s32 $0x8F2B, s0  }
0xc9: {  	[sflag:s0] =	ssyncadd.remote.s32 $0x1  }
0xca: {  	_ =	sfence.sel $0xFFFF  }
0xcb: {  	[dreg:$0x0] =	wrdreg $0xFFFFFFFF;
	(pc) =	sbr.abs _section_cstart, $3  }
0xcc: {  	[dreg:$0x1] =	wrdreg $0xFFFFFFFF  }
0xcd: {  	_ =	task.clear_ibuf [dreg:s11], $0x2FFFF;
	_ =	strace $0x9FFFFFFF  }
0xce: {  	(tm) =	ssettm $0x7FFFFFFF  }
0xcf: {  	_ =	shalt  }
tec
execute0_lowered:
.L_overlay_start_1:
0x0: {  	(tag) =	ssettag $0x1  }
0x1: {  	s1 =	rddreg [dreg:$0x0]  }
0x2: {  	s8 =	rddreg [dreg:$0x1]  }
0x3: {  	s6 =	rddreg [dreg:$0x2]  }
0x4: {  	s7 =	rddreg [dreg:$0x3]  }
0x5: {  	s5 =	rddreg [dreg:$0x4]  }
0x6: {  	s3 =	rddreg [dreg:$0x5]  }
0x7: {  	s4 =	rddreg [dreg:$0x6];
	s2 =	simm.s32 $0x0  }
0x8: {  	[smem:$0x7FF] =	sst s2  }
0x9: {  	s0 =	rddreg [dreg:$0x7];
	s31 =	simm.s32 $0x2;
	_ =	strace $0x80000047  }
0xa: {  	[tilespmem:s2], [sflag:$0x2] =	stream.linear.gather [hbm4b:s1+s2], $0x1, $0x38;
	[tilespmem:$0x2600] =	vst v63  }
0xb: {  	_ =	swait.ge [sflag:s31], $0x1  }
0xc: {  	[sflag:s31] =	ssyncset.done $0x0  }
0xd: {  	[sflag:s31] =	ssyncadd.s32 $0xFFFFFFFF  }
0xe: {  	s1 =	stileid.u32;
	v0 =	vld [tilespmem:$0x0]  }
0xf: {  	p0 =	seq.s32 s1, $0xF  }
.Ltmp0:
0x10: {  	_ = 	snop;
	(pc) =	sbr.rel @!p0 .LBB2_1-.Ltmp0, $3  }
0x11: {  	_ =	sdelay $0x1  }
0x12: {  	v0 =	vadd.s32 $0xFFFFFFFF, v0  }
0x13: {  	[tilespmem:$0x80] =	vst v0  }
0x14: {  	v1 =	vld.msk [tilespmem:$0x80], $0x1;
	_ =	sdelay $0x4  }
0x15: {  	v2 =	vshrl.u32 v1, $0x3  }
0x16: {  	v2 =	vmul.u32 $0x1870, v2  }
0x17: {  	v1 =	vand.u32 $0x7, v1  }
0x18: {  	v61 =	vimm.s32 $0x0;
	v3 =	vlaneseq.u32;
	v1 =	vor.u32 v1, v2  }
0x19: {  	v3 =	vmul.u32 $0x8, v3;
	v1 =	vperm.xlane v1, v61;
	_ =	sdelay $0x1  }
0x1a: {  	v1 =	vadd.s32 v3, v1;
	_ =	sdelay $0x3  }
0x1b: {  	s10 =	sadd.s32 $0x17700, s6;
	vm0 =	vmmov $0xffff;
	s9 =	simm.s32 $0x100  }
0x1c: {  	[tilespmem:s9], [sflag:$0x1] =	stream.indirect_vreg.gather [hbm4b:s10+s2], $0x80, v1, vm0, $0xb8;
	[tilespmem:$0x2600] =	vst v63  }
0x1d: {  	vm13 =	vmmov $0x7fff;
	s11 =	simm.s32 $0x900;
	s10 =	sadd.s32 $0x800, s10  }
0x1e: {  	[tilespmem:s11], [sflag:$0x1] =	stream.indirect_vreg.gather [hbm4b:s10+s2], $0x80, v1, vm13, $0xb8;
	[tilespmem:$0x2600] =	vst v63  }
0x1f: {  	v1 =	vld.msk [tilespmem:$0x80], $0x1;
	_ =	sdelay $0x4  }
0x20: {  	(v2sf) =	vpush v0, $0x0;
	v4 =	vshll.u32 v1, $0x3  }
0x21: {  	v1 =	vand.u32 $0x7, v1;
	v4 =	vand.u32 $0xFFFFFFC0, v4  }
0x22: {  	v1 =	vor.u32 v1, v4  }
0x23: {  	v62 =	vperm.xlane v1, v61;
	_ =	sdelay $0x1  }
0x24: {  	v0 =	vadd.s32 v3, v62;
	_ =	sdelay $0x3  }
0x25: {  	vm14 =	vmmov $0x7f;
	s26 =	simm.s32 $0x1100  }
0x26: {  	[tilespmem:s26], [sflag:$0x1] =	stream.indirect_vreg.gather [hbm4b:s8+s2], $0x80, v0, vm14, $0xb8;
	[tilespmem:$0x2600] =	vst v63  }
0x27: {  	v0 =	vld.msk [tilespmem:$0x80], $0x1;
	_ =	sdelay $0x3  }
0x28: {  	s28 =	spop (v2sf)  }
0x29: {  	s12 =	sand.u32 $0x7, s28;
	v63 =	vshll.u32 v0, $0x1  }
0x2a: {  	s13 =	sshra.s32 s28, $0x1F;
	p0 =	slt.s32 s28, $0x1;
	p1 =	sne.s32 s12, $0x0;
	v0 =	vand.u32 $0x7, v0;
	v1 =	vand.u32 $0xFFFFFFF0, v63  }
0x2b: {  	s29 =	sshrl.u32 s13, $0x1D;
	p0 =	por !p0, !p1;
	v0 =	vor.u32 v0, v1  }
0x2c: {  	s13 =	simm.s32 $0x1;
	s12 =	sadd.s32 s29, s28;
	p0 =	por !p0, !p0;
	v0 =	vperm.xlane v0, v61  }
0x2d: {  	s12 =	sshra.s32 s12, $0x3;
	s13 =	simm.s32 @!p0 $0x0  }
0x2e: {  	s12 =	ssub.s32 s12, s13;
	v0 =	vadd.s32 v3, v0  }
0x2f: {  	s14 =	smul.u32 $0xC3800, s12  }
0x30: {  	s30 =	simm.s32 $0x1480  }
0x31: {  	s15 =	sshll.u32 s12, $0x8;
	s12 =	sshll.u32 s12, $0xA;
	s14 =	sadd.s32 $0xC3400, s14  }
0x32: {  	vm15 =	vmmov $0x1;
	s17 =	simm.s32 $0x1A00;
	s16 =	sand.u32 $0x1FFFFC00, s12;
	s14 =	sshrl.u32 s14, $0x3  }
0x33: {  	[tilespmem:s30], [sflag:$0x1] =	stream.indirect_vreg.gather [hbm4b:s7+s2], $0x80, v0, vm15, $0xb8;
	[tilespmem:$0x2600] =	vst v63  }
0x34: {  	s15 =	sand.u32 $0x1FFFFF00, s15;
	s31 =	sadd.s32 s16, s8;
	s16 =	sadd.s32 s6, s14  }
0x35: {  	[tilespmem:s17], [sflag:$0x1] =	stream.linear.gather [hbm4b:s16+s2], $0x400, $0x38;
	[tilespmem:$0x2600] =	vst v63  }
0x36: {  	s20 =	simm.s32 $0x1E00;
	s18 =	sadd.s32 s15, s7;
	s19 =	sadd.s32 $0x380, s31  }
0x37: {  	[tilespmem:s20], [sflag:$0x1] =	stream.linear.gather [hbm4b:s19+s2], $0x400, $0x38;
	[tilespmem:$0x2600] =	vst v63  }
0x38: {  	s21 =	simm.s32 $0x1;
	s22 =	simm.s32 $0x2200;
	s6 =	sadd.s32 $0x80, s18  }
0x39: {  	[tilespmem:s22], [sflag:$0x1] =	stream.linear.gather [hbm4b:s6+s2], $0x400, $0x38;
	[tilespmem:$0x2600] =	vst v63  }
0x3a: {  	_ =	swait.ge [sflag:s21], $0xF80  }
0x3b: {  	[sflag:s21] =	ssyncset.done $0x0  }
0x3c: {  	[sflag:s21] =	ssyncadd.s32 $0xFFFFF080  }
0x3d: {  	_ =	swait.ge [sflag:s21], $0x380  }
0x3e: {  	[sflag:s21] =	ssyncset.done $0x0  }
0x3f: {  	[sflag:s21] =	ssyncadd.s32 $0xFFFFFC80  }
0x40: {  	_ =	swait.ge [sflag:s21], $0x80  }
0x41: {  	[sflag:s21] =	ssyncset.done $0x0  }
0x42: {  	[sflag:s21] =	ssyncadd.s32 $0xFFFFFF80  }
0x43: {  	_ =	swait.ge [sflag:s21], $0x400  }
0x44: {  	[sflag:s21] =	ssyncset.done $0x0  }
0x45: {  	[sflag:s21] =	ssyncadd.s32 $0xFFFFFC00  }
0x46: {  	_ =	swait.ge [sflag:s21], $0x400  }
0x47: {  	[sflag:s21] =	ssyncset.done $0x0  }
0x48: {  	[sflag:s21] =	ssyncadd.s32 $0xFFFFFC00  }
0x49: {  	_ =	swait.ge [sflag:s21], $0x400  }
0x4a: {  	[sflag:s21] =	ssyncset.done $0x0  }
0x4b: {  	s23 =	sadd.s32 $0x2EE0, s3;
	[sflag:s21] =	ssyncadd.s32 $0xFFFFFC00  }
0x4c: {  	[hbm4b:s23+s2] =	stream.linear.scatter [tilespmem:s9], [sflag:$0x1], $0xF80, $0x38;
	[tilespmem:$0x2600] =	vst v63  }
0x4d: {  	s24 =	sshll.u32 s28, $0x7  }
0x4e: {  	[hbm4b:s5+s2] =	stream.linear.scatter [tilespmem:s26], [sflag:$0x1], $0x380, $0x38;
	[tilespmem:$0x2600] =	vst v63  }
0x4f: {  	s6 =	ssub.s32 s24, s12  }
0x50: {  	[hbm4b:s4+s2] =	stream.linear.scatter [tilespmem:s30], [sflag:$0x1], $0x80, $0x38;
	[tilespmem:$0x2600] =	vst v63  }
0x51: {  	s25 =	sadd.s32 $0x30D0, s3;
	s26 =	sadd.s32 $0x1A00, s6  }
0x52: {  	[hbm4b:s25+s2] =	stream.linear.scatter [tilespmem:s26], [sflag:$0x1], $0x20, $0x38;
	[tilespmem:$0x2600] =	vst v63  }
0x53: {  	s28 =	sadd.s32 $0x70, s5;
	s29 =	sadd.s32 $0x1E00, s6  }
0x54: {  	[hbm4b:s28+s2] =	stream.linear.scatter [tilespmem:s29], [sflag:$0x1], $0x68, $0x38;
	[tilespmem:$0x2600] =	vst v63  }
0x55: {  	s31 =	sadd.s32 $0x2200, s6;
	s30 =	sadd.s32 $0x10, s4  }
0x56: {  	[hbm4b:s30+s2] =	stream.linear.scatter [tilespmem:s31], [sflag:$0x1], $0x48, $0x38;
	[tilespmem:$0x2600] =	vst v63  }
0x57: {  	_ =	swait.ge [sflag:s21], $0xF80  }
0x58: {  	[sflag:s21] =	ssyncset.done $0x0  }
0x59: {  	[sflag:s21] =	ssyncadd.s32 $0xFFFFF080  }
0x5a: {  	_ =	swait.ge [sflag:s21], $0x380  }
0x5b: {  	[sflag:s21] =	ssyncset.done $0x0  }
0x5c: {  	[sflag:s21] =	ssyncadd.s32 $0xFFFFFC80  }
0x5d: {  	_ =	swait.ge [sflag:s21], $0x80  }
0x5e: {  	[sflag:s21] =	ssyncset.done $0x0  }
0x5f: {  	[sflag:s21] =	ssyncadd.s32 $0xFFFFFF80  }
0x60: {  	_ =	swait.ge [sflag:s21], $0x20  }
0x61: {  	[sflag:s21] =	ssyncset.done $0x0  }
0x62: {  	[sflag:s21] =	ssyncadd.s32 $0xFFFFFFE0  }
0x63: {  	_ =	swait.ge [sflag:s21], $0x68  }
.Ltmp1:
0x64: {  	[sflag:s21] =	ssyncset.done $0x0;
	(pc) =	sbr.rel .LBB2_3-.Ltmp1, $4  }
0x65: {  	[sflag:s21] =	ssyncadd.s32 $0xFFFFFF98  }
0x66: {  	_ =	swait.ge [sflag:s21], $0x48  }
0x67: {  	[sflag:s21] =	ssyncset.done $0x0  }
0x68: {  	[sflag:s21] =	ssyncadd.s32 $0xFFFFFFB8  }
.LBB2_1:
0x69: {  	v0 =	vld.msk [tilespmem:$0x80], $0x1;
	_ =	sdelay $0x4  }
0x6a: {  	v1 =	vshrl.u32 v0, $0x3  }
0x6b: {  	v1 =	vmul.u32 $0x1870, v1  }
0x6c: {  	v0 =	vand.u32 $0x7, v0  }
0x6d: {  	v62 =	vimm.s32 $0x0;
	v2 =	vlaneseq.u32;
	v0 =	vor.u32 v0, v1  }
0x6e: {  	v63 =	vmul.u32 $0x8, v2;
	v0 =	vperm.xlane v0, v62;
	_ =	sdelay $0x1  }
0x6f: {  	v0 =	vadd.s32 v63, v0;
	_ =	sdelay $0x1  }
0x70: {  	s4 =	smul.u32 $0x1900, s1;
	_ =	sdelay $0x1  }
0x71: {  	vm0 =	vmmov $0xffff;
	s5 =	simm.s32 $0x100;
	s4 =	sadd.s32 s6, s4  }
0x72: {  	[tilespmem:s5], [sflag:$0x1] =	stream.indirect_vreg.gather [hbm4b:s4+s2], $0x80, v0, vm0, $0xb8;
	[tilespmem:$0x2600] =	vst v63  }
0x73: {  	s7 =	simm.s32 $0x900;
	s6 =	sadd.s32 $0x800, s4  }
0x74: {  	[tilespmem:s7], [sflag:$0x1] =	stream.indirect_vreg.gather [hbm4b:s6+s2], $0x80, v0, vm0, $0xb8;
	[tilespmem:$0x2600] =	vst v63  }
0x75: {  	s28 =	simm.s32 $0x1100;
	s26 =	sadd.s32 $0x1000, s4  }
0x76: {  	[tilespmem:s28], [sflag:$0x1] =	stream.indirect_vreg.gather [hbm4b:s26+s2], $0x80, v0, vm0, $0xb8;
	[tilespmem:$0x2600] =	vst v63  }
0x77: {  	vm15 =	vmmov $0x3;
	s29 =	simm.s32 $0x1900;
	s30 =	simm.s32 $0x1;
	s4 =	sadd.s32 $0x1800, s4  }
0x78: {  	[tilespmem:s29], [sflag:$0x1] =	stream.indirect_vreg.gather [hbm4b:s4+s2], $0x80, v0, vm15, $0xb8;
	[tilespmem:$0x2600] =	vst v63  }
0x79: {  	s31 =	smul.u32 $0x320, s1;
	_ =	swait.ge [sflag:s30], $0x1900  }
0x7a: {  	[sflag:s30] =	ssyncset.done $0x0  }
0x7b: {  	s3 =	sadd.s32 s3, s31;
	[sflag:s30] =	ssyncadd.s32 $0xFFFFE700  }
0x7c: {  	[hbm4b:s3+s2] =	stream.linear.scatter [tilespmem:s5], [sflag:$0x1], $0x1900, $0x38;
	[tilespmem:$0x2600] =	vst v63  }
0x7d: {  	_ =	swait.ge [sflag:s30], $0x1900  }
0x7e: {  	[sflag:s30] =	ssyncset.done $0x0  }
0x7f: {  	[sflag:s30] =	ssyncadd.s32 $0xFFFFE700  }
.LBB2_3:
0x80: {  	_ =	sfence.sel $0x180000  }
0x81: {  	[bflag:$0x0] =	sbarrier.arrive $0xFFFF  }
0x82: {  	p0 =	sne.s32 s1, $0x0;
	_ =	strace $0x90000047  }
0x83: {  	s0 =	sadd.s32 @!p0 $0x100000, s0;
	[bflag:$0x2] =	sbarrier.arrive $0xFFFF  }
0x84: {  	[sflag:s0] =	ssyncadd.tile.s32 @!p0 $0x1;
	_ =	shalt  }
.Lfunc_end2:
_tile_overlayer_lowered:
.L_overlay_start_2:
0x85: {  	(tag) =	ssettag $0x2  }
0x86: {  	s0 =	rddreg [dreg:$0x0];
	s2 =	stileid.u32  }
0x87: {  	s1 =	rddreg [dreg:$0x1];
	p0 =	sne.s32 s2, $0x0  }
0x88: {  	s3 =	rddreg [dreg:$0x2];
	[bflag:$0x3] =	sbarrier.arrive $0xFFFF;
	s2 =	simm.s32 @!p0 $0x1C02  }
0x89: {  	[timem:s3], [sflag:s2] =	dma.local @!p0 [hbm:s0], s1  }
0x8a: {  	s0 =	simm.s32 @!p0 $0x2  }
0x8b: {  	_ =	swait.ge @!p0 [sflag:s0], s1  }
0x8c: {  	s1 =	ssub.s32 @!p0 $0x0, s1;
	[sflag:s0] =	ssyncset.done @!p0 $0x0  }
0x8d: {  	[sflag:s0] =	ssyncadd.s32 @!p0 s1  }
0x8e: {  	[bflag:$0x3] =	sbarrier.arrive $0xFFFF  }
0x8f: {  	_ =	shalt  }

</sc_bundles>
